<compile_context>
chip_gen: v7x
topology: tpu7x:2x2x1
jax: 0.10.2.dev20260603
libtpu: 0.0.44.dev20260713+nightly
codegen_flags: <defaults>
</compile_context>

<pallas_src>
import functools

import jax
import jax.numpy as jnp
from jax import lax
from jax.experimental import pallas as pl
from jax.experimental.pallas import tpu as pltpu
from jax.experimental.pallas import tpu_sc as plsc

_BINS = 30
_ALPHA = 0.5
_ROWS = 2048
_GRID = 16384 // _ROWS


def _row_sum(mat):
    R, C = mat.shape
    nfull = C // 128
    acc = mat[:, 0:128]
    for k in range(1, nfull):
        acc = acc + mat[:, 128 * k:128 * (k + 1)]
    rem = C - 128 * nfull
    if rem:
        tail = jnp.concatenate(
            [mat[:, 128 * nfull:], jnp.zeros((R, 128 - rem), mat.dtype)], axis=1)
        acc = acc + tail
    ones = jnp.ones((128, 128), jnp.float32)
    return jax.lax.dot_general(
        acc, ones, (((1,), (0,)), ((), ())),
        precision=jax.lax.Precision.HIGHEST,
        preferred_element_type=jnp.float32)


def _part_kernel(pred_ref, tgt_ref, cnt_ref, sum_ref):
    x = pred_ref[...]
    t = tgt_ref[...]
    R, C = x.shape

    col = jax.lax.broadcasted_iota(jnp.int32, (R, C), 1)
    e = jnp.exp(x)
    xm = jnp.where(col == t, x, 0.0)
    s = _row_sum(e)[:, :1]
    xt = _row_sum(xm)[:, :1]
    logz = jnp.log(s)
    bl = logz - xt
    p = jnp.exp(xt) / s
    g = 1.0 - p
    b = jnp.clip(jnp.floor(g * _BINS).astype(jnp.int32), 0, _BINS - 1)

    lane = jax.lax.broadcasted_iota(jnp.int32, (R, 128), 1)
    onehot = (lane == b).astype(jnp.float32)
    cnt_ref[...] = jnp.sum(onehot, axis=0, keepdims=True)[None]
    sum_ref[...] = jnp.sum(onehot * bl, axis=0, keepdims=True)[None]


def _sc_reduce(cnt_hbm, sm_hbm, out_hbm, cnt_v, sm_v, out_v):
    wid = lax.axis_index("s") * 2 + lax.axis_index("c")

    @pl.when(wid == 0)
    def _():
        pltpu.sync_copy(cnt_hbm, cnt_v)
        pltpu.sync_copy(sm_hbm, sm_v)
        c0 = jnp.zeros((16,), jnp.float32)
        c1 = jnp.zeros((16,), jnp.float32)
        s0 = jnp.zeros((16,), jnp.float32)
        s1 = jnp.zeros((16,), jnp.float32)
        for g in range(_GRID):
            c0 = c0 + cnt_v[g, 0, pl.ds(0, 16)]
            c1 = c1 + cnt_v[g, 0, pl.ds(16, 16)]
            s0 = s0 + sm_v[g, 0, pl.ds(0, 16)]
            s1 = s1 + sm_v[g, 0, pl.ds(16, 16)]
        w = s0 / (c0 + 1e-6) + s1 / (c1 + 1e-6)
        out_v[...] = w
        pltpu.sync_copy(out_v, out_hbm)


_sc_reduce_call = functools.partial(
    pl.kernel,
    out_type=jax.ShapeDtypeStruct((16,), jnp.float32),
    mesh=plsc.VectorSubcoreMesh(core_axis_name="c", subcore_axis_name="s"),
    scratch_types=[
        pltpu.VMEM((_GRID, 1, 128), jnp.float32),
        pltpu.VMEM((_GRID, 1, 128), jnp.float32),
        pltpu.VMEM((16,), jnp.float32),
    ],
)(_sc_reduce)


def kernel(pred, target):
    n, c = pred.shape
    grid = n // _ROWS
    t2 = target.reshape(n, 1)
    cnt, sm = pl.pallas_call(
        _part_kernel,
        grid=(grid,),
        in_specs=[
            pl.BlockSpec((_ROWS, c), lambda i: (i, 0)),
            pl.BlockSpec((_ROWS, 1), lambda i: (i, 0)),
        ],
        out_specs=[
            pl.BlockSpec((1, 1, 128), lambda i: (i, 0, 0)),
            pl.BlockSpec((1, 1, 128), lambda i: (i, 0, 0)),
        ],
        out_shape=[
            jax.ShapeDtypeStruct((grid, 1, 128), jnp.float32),
            jax.ShapeDtypeStruct((grid, 1, 128), jnp.float32),
        ],
        compiler_params=pltpu.CompilerParams(
            dimension_semantics=("parallel",),
        ),
    )(pred, t2)
    out = _sc_reduce_call(cnt, sm)
    return _ALPHA * jnp.sum(out)

# --- scband reference (transcript-rebuilt; emitter-appended) ---
"""Pipeline reference for scband-ghm-loss-28922309771758 (READ-ONLY COPY).

The authoritative reference and input builder live on the scoring server;
editing this copy changes nothing except your own understanding.
"""

import jax, jax.numpy as jnp
import numpy as np

BINS = 30
ALPHA = 0.5
N = 16384
C = 1000

def setup_inputs(seed: int = 0) -> dict:
    key = jax.random.key(seed)
    k1, k2 = jax.random.split(key)
    pred = jax.random.normal(k1, (N, C), dtype=jnp.float32)
    target = jax.random.randint(k2, (N,), 0, C, dtype=jnp.int32)
    return {"pred": pred, "target": target}

def reference(pred, target):
    bins = BINS
    alpha = ALPHA
    n = pred.shape[0]
    # multiclass branch: target is integer class indices
    probs = jax.nn.softmax(pred, axis=1)
    class_probs = probs[jnp.arange(n), target]
    g = (1.0 - class_probs)[:, None]
    flat_g = g.reshape(-1)
    # torch.histc(flat_g, bins, min=0, max=1) equivalent for values in [0,1]
    bin_idx = jnp.clip(jnp.floor(flat_g * bins).astype(jnp.int32), 0, bins - 1)
    counts = jnp.bincount(bin_idx, length=bins).astype(jnp.float32)
    weights = (flat_g.size / (counts + 1e-06)) * alpha
    sample_weights = weights[bin_idx].reshape(g.shape)
    # cross_entropy with reduction='none'
    logZ = jax.scipy.special.logsumexp(pred, axis=1)
    base_loss = logZ - pred[jnp.arange(n), target]
    loss = base_loss * sample_weights[:, 0]
    return loss.mean()

if __name__ == "__main__":
    import jax
    _d = setup_inputs()
    print(jax.jit(kernel)(*tuple(_d.values())))

</pallas_src>

<mosaic_0001>
#map = affine_map<(d0, d1) -> (0, 0, 0)>
#map1 = affine_map<(d0, d1) -> (0)>
module attributes {stable_mosaic.version = 14 : i64} {
  func.func @_sc_reduce(%arg0: i32, %arg1: i32, %arg2: memref<8x1x128xf32, #tpu.memory_space<hbm>>, %arg3: memref<8x1x128xf32, #tpu.memory_space<hbm>>, %arg4: memref<16xf32, #tpu.memory_space<hbm>>, %arg5: memref<8x1x128xf32, #tpu.memory_space<vmem>>, %arg6: memref<8x1x128xf32, #tpu.memory_space<vmem>>, %arg7: memref<16xf32, #tpu.memory_space<vmem>>) attributes {dimension_semantics = [#tpu.dimension_semantics<core_parallel>, #tpu.dimension_semantics<subcore_parallel>], iteration_bounds = array<i64: 2, 16>, scalar_prefetch = 0 : i64, scratch_operands = 3 : i64, tpu.core_type = #tpu.core_type<sc_vector_subcore>, window_params = [{transform_indices = #map}, {transform_indices = #map}, {transform_indices = #map1}]} {
    %mul3A = arith.constant 2 : i32
    %mul3A_0 = arith.muli %arg1, %mul3A : i32
    %add3A = arith.addi %mul3A_0, %arg0 : i32
    %eq3A = arith.constant 0 : i32
    %eq3A_1 = arith.cmpi eq, %add3A, %eq3A : i32
    %convert_element_type3A = arith.extui %eq3A_1 : i1 to i32
    %cond3A = arith.constant 0 : i32
    %cond3A_2 = arith.cmpi ne, %convert_element_type3A, %cond3A : i32
    scf.if %cond3A_2 {
      "tpu.region"() ({
        %run_scoped3A = tpu.sem_alloc : memref<!tpu.dma_semaphore, #tpu.memory_space<semaphore_mem>>
        tpu.enqueue_dma source(%arg2 : memref<8x1x128xf32, #tpu.memory_space<hbm>>) target(%arg5 : memref<8x1x128xf32, #tpu.memory_space<vmem>>) target_semaphore(%run_scoped3A : memref<!tpu.dma_semaphore, #tpu.memory_space<semaphore_mem>>)
        tpu.wait_dma2 semaphore(%run_scoped3A : memref<!tpu.dma_semaphore, #tpu.memory_space<semaphore_mem>>) src(%arg2 : memref<8x1x128xf32, #tpu.memory_space<hbm>>) dst(%arg5 : memref<8x1x128xf32, #tpu.memory_space<vmem>>)
        tpu.yield
      }) : () -> ()
      "tpu.region"() ({
        %run_scoped3A = tpu.sem_alloc : memref<!tpu.dma_semaphore, #tpu.memory_space<semaphore_mem>>
        tpu.enqueue_dma source(%arg3 : memref<8x1x128xf32, #tpu.memory_space<hbm>>) target(%arg6 : memref<8x1x128xf32, #tpu.memory_space<vmem>>) target_semaphore(%run_scoped3A : memref<!tpu.dma_semaphore, #tpu.memory_space<semaphore_mem>>)
        tpu.wait_dma2 semaphore(%run_scoped3A : memref<!tpu.dma_semaphore, #tpu.memory_space<semaphore_mem>>) src(%arg3 : memref<8x1x128xf32, #tpu.memory_space<hbm>>) dst(%arg6 : memref<8x1x128xf32, #tpu.memory_space<vmem>>)
        tpu.yield
      }) : () -> ()
      %broadcast_in_dim3A = arith.constant 0.000000e+00 : f32
      %broadcast_in_dim3A_3 = vector.broadcast %broadcast_in_dim3A : f32 to vector<16xf32>
      %broadcast_in_dim3A_4 = arith.constant 0.000000e+00 : f32
      %broadcast_in_dim3A_5 = vector.broadcast %broadcast_in_dim3A_4 : f32 to vector<16xf32>
      %broadcast_in_dim3A_6 = arith.constant 0.000000e+00 : f32
      %broadcast_in_dim3A_7 = vector.broadcast %broadcast_in_dim3A_6 : f32 to vector<16xf32>
      %broadcast_in_dim3A_8 = arith.constant 0.000000e+00 : f32
      %broadcast_in_dim3A_9 = vector.broadcast %broadcast_in_dim3A_8 : f32 to vector<16xf32>
      %get3A = arith.constant 0 : i32
      %get3A_10 = arith.constant 0 : i32
      %get3A_11 = arith.index_cast %get3A : i32 to index
      %get3A_12 = arith.index_cast %get3A_10 : i32 to index
      %get3A_13 = arith.constant 0 : index
      %get3A_14 = tpu.vector_load %arg5[%get3A_11, %get3A_12, %get3A_13] {strides = array<i32>} : memref<8x1x128xf32, #tpu.memory_space<vmem>>, vector<1x1x16xf32>,
      %get3A_15 = vector.shape_cast %get3A_14 : vector<1x1x16xf32> to vector<16xf32>
      %add3A_16 = arith.addf %broadcast_in_dim3A_3, %get3A_15 : vector<16xf32>
      %get3A_17 = arith.constant 0 : i32
      %get3A_18 = arith.constant 0 : i32
      %get3A_19 = arith.index_cast %get3A_17 : i32 to index
      %get3A_20 = arith.index_cast %get3A_18 : i32 to index
      %get3A_21 = arith.constant 16 : index
      %get3A_22 = tpu.vector_load %arg5[%get3A_19, %get3A_20, %get3A_21] {strides = array<i32>} : memref<8x1x128xf32, #tpu.memory_space<vmem>>, vector<1x1x16xf32>,
      %get3A_23 = vector.shape_cast %get3A_22 : vector<1x1x16xf32> to vector<16xf32>
      %add3A_24 = arith.addf %broadcast_in_dim3A_5, %get3A_23 : vector<16xf32>
      %get3A_25 = arith.constant 0 : i32
      %get3A_26 = arith.constant 0 : i32
      %get3A_27 = arith.index_cast %get3A_25 : i32 to index
      %get3A_28 = arith.index_cast %get3A_26 : i32 to index
      %get3A_29 = arith.constant 0 : index
      %get3A_30 = tpu.vector_load %arg6[%get3A_27, %get3A_28, %get3A_29] {strides = array<i32>} : memref<8x1x128xf32, #tpu.memory_space<vmem>>, vector<1x1x16xf32>,
      %get3A_31 = vector.shape_cast %get3A_30 : vector<1x1x16xf32> to vector<16xf32>
      %add3A_32 = arith.addf %broadcast_in_dim3A_7, %get3A_31 : vector<16xf32>
      %get3A_33 = arith.constant 0 : i32
      %get3A_34 = arith.constant 0 : i32
      %get3A_35 = arith.index_cast %get3A_33 : i32 to index
      %get3A_36 = arith.index_cast %get3A_34 : i32 to index
      %get3A_37 = arith.constant 16 : index
      %get3A_38 = tpu.vector_load %arg6[%get3A_35, %get3A_36, %get3A_37] {strides = array<i32>} : memref<8x1x128xf32, #tpu.memory_space<vmem>>, vector<1x1x16xf32>,
      %get3A_39 = vector.shape_cast %get3A_38 : vector<1x1x16xf32> to vector<16xf32>
      %add3A_40 = arith.addf %broadcast_in_dim3A_9, %get3A_39 : vector<16xf32>
      %get3A_41 = arith.constant 1 : i32
      %get3A_42 = arith.constant 0 : i32
      %get3A_43 = arith.index_cast %get3A_41 : i32 to index
      %get3A_44 = arith.index_cast %get3A_42 : i32 to index
      %get3A_45 = arith.constant 0 : index
      %get3A_46 = tpu.vector_load %arg5[%get3A_43, %get3A_44, %get3A_45] {strides = array<i32>} : memref<8x1x128xf32, #tpu.memory_space<vmem>>, vector<1x1x16xf32>,
      %get3A_47 = vector.shape_cast %get3A_46 : vector<1x1x16xf32> to vector<16xf32>
      %add3A_48 = arith.addf %add3A_16, %get3A_47 : vector<16xf32>
      %get3A_49 = arith.constant 1 : i32
      %get3A_50 = arith.constant 0 : i32
      %get3A_51 = arith.index_cast %get3A_49 : i32 to index
      %get3A_52 = arith.index_cast %get3A_50 : i32 to index
      %get3A_53 = arith.constant 16 : index
      %get3A_54 = tpu.vector_load %arg5[%get3A_51, %get3A_52, %get3A_53] {strides = array<i32>} : memref<8x1x128xf32, #tpu.memory_space<vmem>>, vector<1x1x16xf32>,
      %get3A_55 = vector.shape_cast %get3A_54 : vector<1x1x16xf32> to vector<16xf32>
      %add3A_56 = arith.addf %add3A_24, %get3A_55 : vector<16xf32>
      %get3A_57 = arith.constant 1 : i32
      %get3A_58 = arith.constant 0 : i32
      %get3A_59 = arith.index_cast %get3A_57 : i32 to index
      %get3A_60 = arith.index_cast %get3A_58 : i32 to index
      %get3A_61 = arith.constant 0 : index
      %get3A_62 = tpu.vector_load %arg6[%get3A_59, %get3A_60, %get3A_61] {strides = array<i32>} : memref<8x1x128xf32, #tpu.memory_space<vmem>>, vector<1x1x16xf32>,
      %get3A_63 = vector.shape_cast %get3A_62 : vector<1x1x16xf32> to vector<16xf32>
      %add3A_64 = arith.addf %add3A_32, %get3A_63 : vector<16xf32>
      %get3A_65 = arith.constant 1 : i32
      %get3A_66 = arith.constant 0 : i32
      %get3A_67 = arith.index_cast %get3A_65 : i32 to index
      %get3A_68 = arith.index_cast %get3A_66 : i32 to index
      %get3A_69 = arith.constant 16 : index
      %get3A_70 = tpu.vector_load %arg6[%get3A_67, %get3A_68, %get3A_69] {strides = array<i32>} : memref<8x1x128xf32, #tpu.memory_space<vmem>>, vector<1x1x16xf32>,
      %get3A_71 = vector.shape_cast %get3A_70 : vector<1x1x16xf32> to vector<16xf32>
      %add3A_72 = arith.addf %add3A_40, %get3A_71 : vector<16xf32>
      %get3A_73 = arith.constant 2 : i32
      %get3A_74 = arith.constant 0 : i32
      %get3A_75 = arith.index_cast %get3A_73 : i32 to index
      %get3A_76 = arith.index_cast %get3A_74 : i32 to index
      %get3A_77 = arith.constant 0 : index
      %get3A_78 = tpu.vector_load %arg5[%get3A_75, %get3A_76, %get3A_77] {strides = array<i32>} : memref<8x1x128xf32, #tpu.memory_space<vmem>>, vector<1x1x16xf32>,
      %get3A_79 = vector.shape_cast %get3A_78 : vector<1x1x16xf32> to vector<16xf32>
      %add3A_80 = arith.addf %add3A_48, %get3A_79 : vector<16xf32>
      %get3A_81 = arith.constant 2 : i32
      %get3A_82 = arith.constant 0 : i32
      %get3A_83 = arith.index_cast %get3A_81 : i32 to index
      %get3A_84 = arith.index_cast %get3A_82 : i32 to index
      %get3A_85 = arith.constant 16 : index
      %get3A_86 = tpu.vector_load %arg5[%get3A_83, %get3A_84, %get3A_85] {strides = array<i32>} : memref<8x1x128xf32, #tpu.memory_space<vmem>>, vector<1x1x16xf32>,
      %get3A_87 = vector.shape_cast %get3A_86 : vector<1x1x16xf32> to vector<16xf32>
      %add3A_88 = arith.addf %add3A_56, %get3A_87 : vector<16xf32>
      %get3A_89 = arith.constant 2 : i32
      %get3A_90 = arith.constant 0 : i32
      %get3A_91 = arith.index_cast %get3A_89 : i32 to index
      %get3A_92 = arith.index_cast %get3A_90 : i32 to index
      %get3A_93 = arith.constant 0 : index
      %get3A_94 = tpu.vector_load %arg6[%get3A_91, %get3A_92, %get3A_93] {strides = array<i32>} : memref<8x1x128xf32, #tpu.memory_space<vmem>>, vector<1x1x16xf32>,
      %get3A_95 = vector.shape_cast %get3A_94 : vector<1x1x16xf32> to vector<16xf32>
      %add3A_96 = arith.addf %add3A_64, %get3A_95 : vector<16xf32>
      %get3A_97 = arith.constant 2 : i32
      %get3A_98 = arith.constant 0 : i32
      %get3A_99 = arith.index_cast %get3A_97 : i32 to index
      %get3A_100 = arith.index_cast %get3A_98 : i32 to index
      %get3A_101 = arith.constant 16 : index
      %get3A_102 = tpu.vector_load %arg6[%get3A_99, %get3A_100, %get3A_101] {strides = array<i32>} : memref<8x1x128xf32, #tpu.memory_space<vmem>>, vector<1x1x16xf32>,
      %get3A_103 = vector.shape_cast %get3A_102 : vector<1x1x16xf32> to vector<16xf32>
      %add3A_104 = arith.addf %add3A_72, %get3A_103 : vector<16xf32>
      %get3A_105 = arith.constant 3 : i32
      %get3A_106 = arith.constant 0 : i32
      %get3A_107 = arith.index_cast %get3A_105 : i32 to index
      %get3A_108 = arith.index_cast %get3A_106 : i32 to index
      %get3A_109 = arith.constant 0 : index
      %get3A_110 = tpu.vector_load %arg5[%get3A_107, %get3A_108, %get3A_109] {strides = array<i32>} : memref<8x1x128xf32, #tpu.memory_space<vmem>>, vector<1x1x16xf32>,
      %get3A_111 = vector.shape_cast %get3A_110 : vector<1x1x16xf32> to vector<16xf32>
      %add3A_112 = arith.addf %add3A_80, %get3A_111 : vector<16xf32>
      %get3A_113 = arith.constant 3 : i32
      %get3A_114 = arith.constant 0 : i32
      %get3A_115 = arith.index_cast %get3A_113 : i32 to index
      %get3A_116 = arith.index_cast %get3A_114 : i32 to index
      %get3A_117 = arith.constant 16 : index
      %get3A_118 = tpu.vector_load %arg5[%get3A_115, %get3A_116, %get3A_117] {strides = array<i32>} : memref<8x1x128xf32, #tpu.memory_space<vmem>>, vector<1x1x16xf32>,
      %get3A_119 = vector.shape_cast %get3A_118 : vector<1x1x16xf32> to vector<16xf32>
      %add3A_120 = arith.addf %add3A_88, %get3A_119 : vector<16xf32>
      %get3A_121 = arith.constant 3 : i32
      %get3A_122 = arith.constant 0 : i32
      %get3A_123 = arith.index_cast %get3A_121 : i32 to index
      %get3A_124 = arith.index_cast %get3A_122 : i32 to index
      %get3A_125 = arith.constant 0 : index
      %get3A_126 = tpu.vector_load %arg6[%get3A_123, %get3A_124, %get3A_125] {strides = array<i32>} : memref<8x1x128xf32, #tpu.memory_space<vmem>>, vector<1x1x16xf32>,
      %get3A_127 = vector.shape_cast %get3A_126 : vector<1x1x16xf32> to vector<16xf32>
      %add3A_128 = arith.addf %add3A_96, %get3A_127 : vector<16xf32>
      %get3A_129 = arith.constant 3 : i32
      %get3A_130 = arith.constant 0 : i32
      %get3A_131 = arith.index_cast %get3A_129 : i32 to index
      %get3A_132 = arith.index_cast %get3A_130 : i32 to index
      %get3A_133 = arith.constant 16 : index
      %get3A_134 = tpu.vector_load %arg6[%get3A_131, %get3A_132, %get3A_133] {strides = array<i32>} : memref<8x1x128xf32, #tpu.memory_space<vmem>>, vector<1x1x16xf32>,
      %get3A_135 = vector.shape_cast %get3A_134 : vector<1x1x16xf32> to vector<16xf32>
      %add3A_136 = arith.addf %add3A_104, %get3A_135 : vector<16xf32>
      %get3A_137 = arith.constant 4 : i32
      %get3A_138 = arith.constant 0 : i32
      %get3A_139 = arith.index_cast %get3A_137 : i32 to index
      %get3A_140 = arith.index_cast %get3A_138 : i32 to index
      %get3A_141 = arith.constant 0 : index
      %get3A_142 = tpu.vector_load %arg5[%get3A_139, %get3A_140, %get3A_141] {strides = array<i32>} : memref<8x1x128xf32, #tpu.memory_space<vmem>>, vector<1x1x16xf32>,
      %get3A_143 = vector.shape_cast %get3A_142 : vector<1x1x16xf32> to vector<16xf32>
      %add3A_144 = arith.addf %add3A_112, %get3A_143 : vector<16xf32>
      %get3A_145 = arith.constant 4 : i32
      %get3A_146 = arith.constant 0 : i32
      %get3A_147 = arith.index_cast %get3A_145 : i32 to index
      %get3A_148 = arith.index_cast %get3A_146 : i32 to index
      %get3A_149 = arith.constant 16 : index
      %get3A_150 = tpu.vector_load %arg5[%get3A_147, %get3A_148, %get3A_149] {strides = array<i32>} : memref<8x1x128xf32, #tpu.memory_space<vmem>>, vector<1x1x16xf32>,
      %get3A_151 = vector.shape_cast %get3A_150 : vector<1x1x16xf32> to vector<16xf32>
      %add3A_152 = arith.addf %add3A_120, %get3A_151 : vector<16xf32>
      %get3A_153 = arith.constant 4 : i32
      %get3A_154 = arith.constant 0 : i32
      %get3A_155 = arith.index_cast %get3A_153 : i32 to index
      %get3A_156 = arith.index_cast %get3A_154 : i32 to index
      %get3A_157 = arith.constant 0 : index
      %get3A_158 = tpu.vector_load %arg6[%get3A_155, %get3A_156, %get3A_157] {strides = array<i32>} : memref<8x1x128xf32, #tpu.memory_space<vmem>>, vector<1x1x16xf32>,
      %get3A_159 = vector.shape_cast %get3A_158 : vector<1x1x16xf32> to vector<16xf32>
      %add3A_160 = arith.addf %add3A_128, %get3A_159 : vector<16xf32>
      %get3A_161 = arith.constant 4 : i32
      %get3A_162 = arith.constant 0 : i32
      %get3A_163 = arith.index_cast %get3A_161 : i32 to index
      %get3A_164 = arith.index_cast %get3A_162 : i32 to index
      %get3A_165 = arith.constant 16 : index
      %get3A_166 = tpu.vector_load %arg6[%get3A_163, %get3A_164, %get3A_165] {strides = array<i32>} : memref<8x1x128xf32, #tpu.memory_space<vmem>>, vector<1x1x16xf32>,
      %get3A_167 = vector.shape_cast %get3A_166 : vector<1x1x16xf32> to vector<16xf32>
      %add3A_168 = arith.addf %add3A_136, %get3A_167 : vector<16xf32>
      %get3A_169 = arith.constant 5 : i32
      %get3A_170 = arith.constant 0 : i32
      %get3A_171 = arith.index_cast %get3A_169 : i32 to index
      %get3A_172 = arith.index_cast %get3A_170 : i32 to index
      %get3A_173 = arith.constant 0 : index
      %get3A_174 = tpu.vector_load %arg5[%get3A_171, %get3A_172, %get3A_173] {strides = array<i32>} : memref<8x1x128xf32, #tpu.memory_space<vmem>>, vector<1x1x16xf32>,
      %get3A_175 = vector.shape_cast %get3A_174 : vector<1x1x16xf32> to vector<16xf32>
      %add3A_176 = arith.addf %add3A_144, %get3A_175 : vector<16xf32>
      %get3A_177 = arith.constant 5 : i32
      %get3A_178 = arith.constant 0 : i32
      %get3A_179 = arith.index_cast %get3A_177 : i32 to index
      %get3A_180 = arith.index_cast %get3A_178 : i32 to index
      %get3A_181 = arith.constant 16 : index
      %get3A_182 = tpu.vector_load %arg5[%get3A_179, %get3A_180, %get3A_181] {strides = array<i32>} : memref<8x1x128xf32, #tpu.memory_space<vmem>>, vector<1x1x16xf32>,
      %get3A_183 = vector.shape_cast %get3A_182 : vector<1x1x16xf32> to vector<16xf32>
      %add3A_184 = arith.addf %add3A_152, %get3A_183 : vector<16xf32>
      %get3A_185 = arith.constant 5 : i32
      %get3A_186 = arith.constant 0 : i32
      %get3A_187 = arith.index_cast %get3A_185 : i32 to index
      %get3A_188 = arith.index_cast %get3A_186 : i32 to index
      %get3A_189 = arith.constant 0 : index
      %get3A_190 = tpu.vector_load %arg6[%get3A_187, %get3A_188, %get3A_189] {strides = array<i32>} : memref<8x1x128xf32, #tpu.memory_space<vmem>>, vector<1x1x16xf32>,
      %get3A_191 = vector.shape_cast %get3A_190 : vector<1x1x16xf32> to vector<16xf32>
      %add3A_192 = arith.addf %add3A_160, %get3A_191 : vector<16xf32>
      %get3A_193 = arith.constant 5 : i32
      %get3A_194 = arith.constant 0 : i32
      %get3A_195 = arith.index_cast %get3A_193 : i32 to index
      %get3A_196 = arith.index_cast %get3A_194 : i32 to index
      %get3A_197 = arith.constant 16 : index
      %get3A_198 = tpu.vector_load %arg6[%get3A_195, %get3A_196, %get3A_197] {strides = array<i32>} : memref<8x1x128xf32, #tpu.memory_space<vmem>>, vector<1x1x16xf32>,
      %get3A_199 = vector.shape_cast %get3A_198 : vector<1x1x16xf32> to vector<16xf32>
      %add3A_200 = arith.addf %add3A_168, %get3A_199 : vector<16xf32>
      %get3A_201 = arith.constant 6 : i32
      %get3A_202 = arith.constant 0 : i32
      %get3A_203 = arith.index_cast %get3A_201 : i32 to index
      %get3A_204 = arith.index_cast %get3A_202 : i32 to index
      %get3A_205 = arith.constant 0 : index
      %get3A_206 = tpu.vector_load %arg5[%get3A_203, %get3A_204, %get3A_205] {strides = array<i32>} : memref<8x1x128xf32, #tpu.memory_space<vmem>>, vector<1x1x16xf32>,
      %get3A_207 = vector.shape_cast %get3A_206 : vector<1x1x16xf32> to vector<16xf32>
      %add3A_208 = arith.addf %add3A_176, %get3A_207 : vector<16xf32>
      %get3A_209 = arith.constant 6 : i32
      %get3A_210 = arith.constant 0 : i32
      %get3A_211 = arith.index_cast %get3A_209 : i32 to index
      %get3A_212 = arith.index_cast %get3A_210 : i32 to index
      %get3A_213 = arith.constant 16 : index
      %get3A_214 = tpu.vector_load %arg5[%get3A_211, %get3A_212, %get3A_213] {strides = array<i32>} : memref<8x1x128xf32, #tpu.memory_space<vmem>>, vector<1x1x16xf32>,
      %get3A_215 = vector.shape_cast %get3A_214 : vector<1x1x16xf32> to vector<16xf32>
      %add3A_216 = arith.addf %add3A_184, %get3A_215 : vector<16xf32>
      %get3A_217 = arith.constant 6 : i32
      %get3A_218 = arith.constant 0 : i32
      %get3A_219 = arith.index_cast %get3A_217 : i32 to index
      %get3A_220 = arith.index_cast %get3A_218 : i32 to index
      %get3A_221 = arith.constant 0 : index
      %get3A_222 = tpu.vector_load %arg6[%get3A_219, %get3A_220, %get3A_221] {strides = array<i32>} : memref<8x1x128xf32, #tpu.memory_space<vmem>>, vector<1x1x16xf32>,
      %get3A_223 = vector.shape_cast %get3A_222 : vector<1x1x16xf32> to vector<16xf32>
      %add3A_224 = arith.addf %add3A_192, %get3A_223 : vector<16xf32>
      %get3A_225 = arith.constant 6 : i32
      %get3A_226 = arith.constant 0 : i32
      %get3A_227 = arith.index_cast %get3A_225 : i32 to index
      %get3A_228 = arith.index_cast %get3A_226 : i32 to index
      %get3A_229 = arith.constant 16 : index
      %get3A_230 = tpu.vector_load %arg6[%get3A_227, %get3A_228, %get3A_229] {strides = array<i32>} : memref<8x1x128xf32, #tpu.memory_space<vmem>>, vector<1x1x16xf32>,
      %get3A_231 = vector.shape_cast %get3A_230 : vector<1x1x16xf32> to vector<16xf32>
      %add3A_232 = arith.addf %add3A_200, %get3A_231 : vector<16xf32>
      %get3A_233 = arith.constant 7 : i32
      %get3A_234 = arith.constant 0 : i32
      %get3A_235 = arith.index_cast %get3A_233 : i32 to index
      %get3A_236 = arith.index_cast %get3A_234 : i32 to index
      %get3A_237 = arith.constant 0 : index
      %get3A_238 = tpu.vector_load %arg5[%get3A_235, %get3A_236, %get3A_237] {strides = array<i32>} : memref<8x1x128xf32, #tpu.memory_space<vmem>>, vector<1x1x16xf32>,
      %get3A_239 = vector.shape_cast %get3A_238 : vector<1x1x16xf32> to vector<16xf32>
      %add3A_240 = arith.addf %add3A_208, %get3A_239 : vector<16xf32>
      %get3A_241 = arith.constant 7 : i32
      %get3A_242 = arith.constant 0 : i32
      %get3A_243 = arith.index_cast %get3A_241 : i32 to index
      %get3A_244 = arith.index_cast %get3A_242 : i32 to index
      %get3A_245 = arith.constant 16 : index
      %get3A_246 = tpu.vector_load %arg5[%get3A_243, %get3A_244, %get3A_245] {strides = array<i32>} : memref<8x1x128xf32, #tpu.memory_space<vmem>>, vector<1x1x16xf32>,
      %get3A_247 = vector.shape_cast %get3A_246 : vector<1x1x16xf32> to vector<16xf32>
      %add3A_248 = arith.addf %add3A_216, %get3A_247 : vector<16xf32>
      %get3A_249 = arith.constant 7 : i32
      %get3A_250 = arith.constant 0 : i32
      %get3A_251 = arith.index_cast %get3A_249 : i32 to index
      %get3A_252 = arith.index_cast %get3A_250 : i32 to index
      %get3A_253 = arith.constant 0 : index
      %get3A_254 = tpu.vector_load %arg6[%get3A_251, %get3A_252, %get3A_253] {strides = array<i32>} : memref<8x1x128xf32, #tpu.memory_space<vmem>>, vector<1x1x16xf32>,
      %get3A_255 = vector.shape_cast %get3A_254 : vector<1x1x16xf32> to vector<16xf32>
      %add3A_256 = arith.addf %add3A_224, %get3A_255 : vector<16xf32>
      %get3A_257 = arith.constant 7 : i32
      %get3A_258 = arith.constant 0 : i32
      %get3A_259 = arith.index_cast %get3A_257 : i32 to index
      %get3A_260 = arith.index_cast %get3A_258 : i32 to index
      %get3A_261 = arith.constant 16 : index
      %get3A_262 = tpu.vector_load %arg6[%get3A_259, %get3A_260, %get3A_261] {strides = array<i32>} : memref<8x1x128xf32, #tpu.memory_space<vmem>>, vector<1x1x16xf32>,
      %get3A_263 = vector.shape_cast %get3A_262 : vector<1x1x16xf32> to vector<16xf32>
      %add3A_264 = arith.addf %add3A_232, %get3A_263 : vector<16xf32>
      %add3A_265 = arith.constant 9.99999997E-7 : f32
      %add3A_266 = vector.broadcast %add3A_265 : f32 to vector<16xf32>
      %add3A_267 = arith.addf %add3A_240, %add3A_266 : vector<16xf32>
      %div3A = arith.divf %add3A_256, %add3A_267 : vector<16xf32>
      %add3A_268 = arith.constant 9.99999997E-7 : f32
      %add3A_269 = vector.broadcast %add3A_268 : f32 to vector<16xf32>
      %add3A_270 = arith.addf %add3A_248, %add3A_269 : vector<16xf32>
      %div3A_271 = arith.divf %add3A_264, %add3A_270 : vector<16xf32>
      %add3A_272 = arith.addf %div3A, %div3A_271 : vector<16xf32>
      %swap3A = arith.constant 0 : index
      %swap3A_273 = tpu.vector_load %arg7[%swap3A] {strides = array<i32>} : memref<16xf32, #tpu.memory_space<vmem>>, vector<16xf32>,
      %swap3A_274 = vector.shape_cast %swap3A_273 : vector<16xf32> to vector<16xf32>
      %swap3A_275 = vector.shape_cast %add3A_272 : vector<16xf32> to vector<16xf32>
      tpu.vector_store %arg7[%swap3A], %swap3A_275 {strides = array<i32>} : memref<16xf32, #tpu.memory_space<vmem>>, vector<16xf32>,
      "tpu.region"() ({
        %run_scoped3A = tpu.sem_alloc : memref<!tpu.dma_semaphore, #tpu.memory_space<semaphore_mem>>
        tpu.enqueue_dma source(%arg7 : memref<16xf32, #tpu.memory_space<vmem>>) target(%arg4 : memref<16xf32, #tpu.memory_space<hbm>>) target_semaphore(%run_scoped3A : memref<!tpu.dma_semaphore, #tpu.memory_space<semaphore_mem>>)
        tpu.wait_dma2 semaphore(%run_scoped3A : memref<!tpu.dma_semaphore, #tpu.memory_space<semaphore_mem>>) src(%arg7 : memref<16xf32, #tpu.memory_space<vmem>>) dst(%arg4 : memref<16xf32, #tpu.memory_space<hbm>>)
        tpu.yield
      }) : () -> ()
    } else {
    }
    return
  }
}

module attributes {stable_mosaic.version = 14 : i64} {
  func.func @_part_kernel(%arg0: i32, %arg1: memref<2048x1000xf32, #tpu.memory_space<vmem>>, %arg2: memref<2048x1xi32, #tpu.memory_space<vmem>>, %arg3: memref<1x1x128xf32, #tpu.memory_space<vmem>>, %arg4: memref<1x1x128xf32, #tpu.memory_space<vmem>>) attributes {dimension_semantics = [#tpu.dimension_semantics<parallel>], iteration_bounds = array<i64: 8>, scalar_prefetch = 0 : i64, scratch_operands = 0 : i64, tpu.core_type = #tpu.core_type<tc>, window_params = [{transform_indices = @transform_0, window_bounds = array<i64: 2048, 1000>}, {transform_indices = @transform_1, window_bounds = array<i64: 2048, 1>}, {transform_indices = @transform_2, window_bounds = array<i64: 1, 1, 128>}, {transform_indices = @transform_3, window_bounds = array<i64: 1, 1, 128>}]} {
    %get3A = arith.constant 0 : index
    %get3A_0 = arith.constant 0 : index
    %get3A_1 = vector.load %arg1[%get3A, %get3A_0] : memref<2048x1000xf32, #tpu.memory_space<vmem>>, vector<2048x1000xf32>
    %get3A_2 = arith.constant 0 : index
    %get3A_3 = arith.constant 0 : index
    %get3A_4 = vector.load %arg2[%get3A_2, %get3A_3] : memref<2048x1xi32, #tpu.memory_space<vmem>>, vector<2048x1xi32>
    %iota3A = tpu.iota {dimensions = array<i32: 1>} : vector<2048x1000xi32>
    %exp3A = math.exp %get3A_1 : vector<2048x1000xf32>
    %eq3A = vector.broadcast %get3A_4 : vector<2048x1xi32> to vector<2048x1000xi32>
    %eq3A_5 = arith.cmpi eq, %iota3A, %eq3A : vector<2048x1000xi32>
    %jit3A = arith.constant 0.000000e+00 : f32
    %broadcast_in_dim3A = vector.broadcast %jit3A : f32 to vector<2048x1000xf32>
    %select_n3A = arith.select %eq3A_5, %get3A_1, %broadcast_in_dim3A : vector<2048x1000xi1>, vector<2048x1000xf32>
    %slice3A = vector.extract_strided_slice %exp3A {offsets = [0, 0], sizes = [2048, 128], strides = [1, 1]} : vector<2048x1000xf32> to vector<2048x128xf32>
    %slice3A_6 = vector.extract_strided_slice %exp3A {offsets = [0, 128], sizes = [2048, 128], strides = [1, 1]} : vector<2048x1000xf32> to vector<2048x128xf32>
    %add3A = arith.addf %slice3A, %slice3A_6 : vector<2048x128xf32>
    %slice3A_7 = vector.extract_strided_slice %exp3A {offsets = [0, 256], sizes = [2048, 128], strides = [1, 1]} : vector<2048x1000xf32> to vector<2048x128xf32>
    %add3A_8 = arith.addf %add3A, %slice3A_7 : vector<2048x128xf32>
    %slice3A_9 = vector.extract_strided_slice %exp3A {offsets = [0, 384], sizes = [2048, 128], strides = [1, 1]} : vector<2048x1000xf32> to vector<2048x128xf32>
    %add3A_10 = arith.addf %add3A_8, %slice3A_9 : vector<2048x128xf32>
    %slice3A_11 = vector.extract_strided_slice %exp3A {offsets = [0, 512], sizes = [2048, 128], strides = [1, 1]} : vector<2048x1000xf32> to vector<2048x128xf32>
    %add3A_12 = arith.addf %add3A_10, %slice3A_11 : vector<2048x128xf32>
    %slice3A_13 = vector.extract_strided_slice %exp3A {offsets = [0, 640], sizes = [2048, 128], strides = [1, 1]} : vector<2048x1000xf32> to vector<2048x128xf32>
    %add3A_14 = arith.addf %add3A_12, %slice3A_13 : vector<2048x128xf32>
    %slice3A_15 = vector.extract_strided_slice %exp3A {offsets = [0, 768], sizes = [2048, 128], strides = [1, 1]} : vector<2048x1000xf32> to vector<2048x128xf32>
    %add3A_16 = arith.addf %add3A_14, %slice3A_15 : vector<2048x128xf32>
    %slice3A_17 = vector.extract_strided_slice %exp3A {offsets = [0, 896], sizes = [2048, 104], strides = [1, 1]} : vector<2048x1000xf32> to vector<2048x104xf32>
    %broadcast_in_dim3A_18 = arith.constant 0.000000e+00 : f32
    %broadcast_in_dim3A_19 = vector.broadcast %broadcast_in_dim3A_18 : f32 to vector<2048x24xf32>
    %concatenate3A = tpu.concatenate %slice3A_17, %broadcast_in_dim3A_19 in 1 : vector<2048x104xf32>, vector<2048x24xf32> -> vector<2048x128xf32>
    %add3A_20 = arith.addf %add3A_16, %concatenate3A : vector<2048x128xf32>
    %broadcast_in_dim3A_21 = arith.constant 1.000000e+00 : f32
    %broadcast_in_dim3A_22 = vector.broadcast %broadcast_in_dim3A_21 : f32 to vector<128x128xf32>
    %dot_general3A = arith.constant dense<0.000000e+00> : vector<2048x128xf32>
    %dot_general3A_23 = tpu.matmul %add3A_20, %broadcast_in_dim3A_22, %dot_general3A {dimension_numbers = #tpu.dot_dimension_numbers<[1], [0], [0], [1], [0, 0, 1, 1], [], []>, precision = #tpu.contract_precision<fp32>, transpose_lhs_hint = false} : vector<2048x128xf32>, vector<128x128xf32>, vector<2048x128xf32> -> vector<2048x128xf32>
    %slice3A_24 = vector.extract_strided_slice %dot_general3A_23 {offsets = [0, 0], sizes = [2048, 1], strides = [1, 1]} : vector<2048x128xf32> to vector<2048x1xf32>
    %slice3A_25 = vector.extract_strided_slice %select_n3A {offsets = [0, 0], sizes = [2048, 128], strides = [1, 1]} : vector<2048x1000xf32> to vector<2048x128xf32>
    %slice3A_26 = vector.extract_strided_slice %select_n3A {offsets = [0, 128], sizes = [2048, 128], strides = [1, 1]} : vector<2048x1000xf32> to vector<2048x128xf32>
    %add3A_27 = arith.addf %slice3A_25, %slice3A_26 : vector<2048x128xf32>
    %slice3A_28 = vector.extract_strided_slice %select_n3A {offsets = [0, 256], sizes = [2048, 128], strides = [1, 1]} : vector<2048x1000xf32> to vector<2048x128xf32>
    %add3A_29 = arith.addf %add3A_27, %slice3A_28 : vector<2048x128xf32>
    %slice3A_30 = vector.extract_strided_slice %select_n3A {offsets = [0, 384], sizes = [2048, 128], strides = [1, 1]} : vector<2048x1000xf32> to vector<2048x128xf32>
    %add3A_31 = arith.addf %add3A_29, %slice3A_30 : vector<2048x128xf32>
    %slice3A_32 = vector.extract_strided_slice %select_n3A {offsets = [0, 512], sizes = [2048, 128], strides = [1, 1]} : vector<2048x1000xf32> to vector<2048x128xf32>
    %add3A_33 = arith.addf %add3A_31, %slice3A_32 : vector<2048x128xf32>
    %slice3A_34 = vector.extract_strided_slice %select_n3A {offsets = [0, 640], sizes = [2048, 128], strides = [1, 1]} : vector<2048x1000xf32> to vector<2048x128xf32>
    %add3A_35 = arith.addf %add3A_33, %slice3A_34 : vector<2048x128xf32>
    %slice3A_36 = vector.extract_strided_slice %select_n3A {offsets = [0, 768], sizes = [2048, 128], strides = [1, 1]} : vector<2048x1000xf32> to vector<2048x128xf32>
    %add3A_37 = arith.addf %add3A_35, %slice3A_36 : vector<2048x128xf32>
    %slice3A_38 = vector.extract_strided_slice %select_n3A {offsets = [0, 896], sizes = [2048, 104], strides = [1, 1]} : vector<2048x1000xf32> to vector<2048x104xf32>
    %broadcast_in_dim3A_39 = arith.constant 0.000000e+00 : f32
    %broadcast_in_dim3A_40 = vector.broadcast %broadcast_in_dim3A_39 : f32 to vector<2048x24xf32>
    %concatenate3A_41 = tpu.concatenate %slice3A_38, %broadcast_in_dim3A_40 in 1 : vector<2048x104xf32>, vector<2048x24xf32> -> vector<2048x128xf32>
    %add3A_42 = arith.addf %add3A_37, %concatenate3A_41 : vector<2048x128xf32>
    %broadcast_in_dim3A_43 = arith.constant 1.000000e+00 : f32
    %broadcast_in_dim3A_44 = vector.broadcast %broadcast_in_dim3A_43 : f32 to vector<128x128xf32>
    %dot_general3A_45 = arith.constant dense<0.000000e+00> : vector<2048x128xf32>
    %dot_general3A_46 = tpu.matmul %add3A_42, %broadcast_in_dim3A_44, %dot_general3A_45 {dimension_numbers = #tpu.dot_dimension_numbers<[1], [0], [0], [1], [0, 0, 1, 1], [], []>, precision = #tpu.contract_precision<fp32>, transpose_lhs_hint = false} : vector<2048x128xf32>, vector<128x128xf32>, vector<2048x128xf32> -> vector<2048x128xf32>
    %slice3A_47 = vector.extract_strided_slice %dot_general3A_46 {offsets = [0, 0], sizes = [2048, 1], strides = [1, 1]} : vector<2048x128xf32> to vector<2048x1xf32>
    %log3A = math.log %slice3A_24 : vector<2048x1xf32>
    %sub3A = arith.subf %log3A, %slice3A_47 : vector<2048x1xf32>
    %exp3A_48 = math.exp %slice3A_47 : vector<2048x1xf32>
    %div3A = arith.divf %exp3A_48, %slice3A_24 : vector<2048x1xf32>
    %sub3A_49 = arith.constant 1.000000e+00 : f32
    %sub3A_50 = vector.broadcast %sub3A_49 : f32 to vector<2048x1xf32>
    %sub3A_51 = arith.subf %sub3A_50, %div3A : vector<2048x1xf32>
    %mul3A = arith.constant 3.000000e+01 : f32
    %mul3A_52 = vector.broadcast %mul3A : f32 to vector<2048x1xf32>
    %mul3A_53 = arith.mulf %sub3A_51, %mul3A_52 : vector<2048x1xf32>
    %floor3A = math.floor %mul3A_53 : vector<2048x1xf32>
    %convert_element_type3A = arith.fptosi %floor3A : vector<2048x1xf32> to vector<2048x1xi32>
    %jit3A_54 = arith.constant 0 : i32
    %jit3A_55 = arith.constant 29 : i32
    %max3A = vector.broadcast %jit3A_54 : i32 to vector<2048x1xi32>
    %max3A_56 = arith.maxsi %max3A, %convert_element_type3A : vector<2048x1xi32>
    %min3A = vector.broadcast %jit3A_55 : i32 to vector<2048x1xi32>
    %min3A_57 = arith.minsi %min3A, %max3A_56 : vector<2048x1xi32>
    %iota3A_58 = tpu.iota {dimensions = array<i32: 1>} : vector<2048x128xi32>
    %eq3A_59 = vector.broadcast %min3A_57 : vector<2048x1xi32> to vector<2048x128xi32>
    %eq3A_60 = arith.cmpi eq, %iota3A_58, %eq3A_59 : vector<2048x128xi32>
    %convert_element_type3A_61 = arith.extui %eq3A_60 : vector<2048x128xi1> to vector<2048x128xi32>
    %convert_element_type3A_62 = arith.sitofp %convert_element_type3A_61 : vector<2048x128xi32> to vector<2048x128xf32>
    %reduce_sum3A = arith.constant dense<0.000000e+00> : vector<128xf32>
    %reduce_sum3A_63 = vector.multi_reduction <add>, %convert_element_type3A_62, %reduce_sum3A [0] : vector<2048x128xf32> to vector<128xf32>
    %broadcast_in_dim3A_64 = vector.shape_cast %reduce_sum3A_63 : vector<128xf32> to vector<1x128xf32>
    %broadcast_in_dim3A_65 = vector.shape_cast %broadcast_in_dim3A_64 : vector<1x128xf32> to vector<1x1x128xf32>
    %swap3A = arith.constant 0 : index
    %swap3A_66 = arith.constant 0 : index
    %swap3A_67 = arith.constant 0 : index
    %swap3A_68 = vector.load %arg3[%swap3A, %swap3A_66, %swap3A_67] : memref<1x1x128xf32, #tpu.memory_space<vmem>>, vector<1x1x128xf32>
    tpu.vector_store %arg3[%swap3A, %swap3A_66, %swap3A_67], %broadcast_in_dim3A_65 {strides = array<i32>} : memref<1x1x128xf32, #tpu.memory_space<vmem>>, vector<1x1x128xf32>,
    %mul3A_69 = vector.broadcast %sub3A : vector<2048x1xf32> to vector<2048x128xf32>
    %mul3A_70 = arith.mulf %convert_element_type3A_62, %mul3A_69 : vector<2048x128xf32>
    %reduce_sum3A_71 = arith.constant dense<0.000000e+00> : vector<128xf32>
    %reduce_sum3A_72 = vector.multi_reduction <add>, %mul3A_70, %reduce_sum3A_71 [0] : vector<2048x128xf32> to vector<128xf32>
    %broadcast_in_dim3A_73 = vector.shape_cast %reduce_sum3A_72 : vector<128xf32> to vector<1x128xf32>
    %broadcast_in_dim3A_74 = vector.shape_cast %broadcast_in_dim3A_73 : vector<1x128xf32> to vector<1x1x128xf32>
    %swap3A_75 = arith.constant 0 : index
    %swap3A_76 = arith.constant 0 : index
    %swap3A_77 = arith.constant 0 : index
    %swap3A_78 = vector.load %arg4[%swap3A_75, %swap3A_76, %swap3A_77] : memref<1x1x128xf32, #tpu.memory_space<vmem>>, vector<1x1x128xf32>
    tpu.vector_store %arg4[%swap3A_75, %swap3A_76, %swap3A_77], %broadcast_in_dim3A_74 {strides = array<i32>} : memref<1x1x128xf32, #tpu.memory_space<vmem>>, vector<1x1x128xf32>,
    return
  }
  func.func @transform_0(%arg0: i32) -> (i32, i32) {
    %c0_i32 = arith.constant 0 : i32
    %c0_i32_0 = arith.constant 0 : i32
    return %arg0, %c0_i32 : i32, i32
  }
  func.func @transform_1(%arg0: i32) -> (i32, i32) {
    %c0_i32 = arith.constant 0 : i32
    %c0_i32_0 = arith.constant 0 : i32
    return %arg0, %c0_i32 : i32, i32
  }
  func.func @transform_2(%arg0: i32) -> (i32, i32, i32) {
    %c0_i32 = arith.constant 0 : i32
    %c0_i32_0 = arith.constant 0 : i32
    %c0_i32_1 = arith.constant 0 : i32
    return %arg0, %c0_i32, %c0_i32_0 : i32, i32, i32
  }
  func.func @transform_3(%arg0: i32) -> (i32, i32, i32) {
    %c0_i32 = arith.constant 0 : i32
    %c0_i32_0 = arith.constant 0 : i32
    %c0_i32_1 = arith.constant 0 : i32
    return %arg0, %c0_i32, %c0_i32_0 : i32, i32, i32
  }
}

</mosaic_0001>

<sc_bundles>
// kernel: kernel.4.cloned.1.call-start
scs
__scs_entry_jumppad:
0x0: {  	(pc) =	sbr.rel $0x88, $3  }
0x1: {  	(tag) =	ssettag $0x0;
	lr =	simm.s32 $0x1  }
0x2: {  	[smem:$0x3F9F] =	sst lr;
	_ =	strace $0xD0000000  }
0x3: {  	_ = 	snop  }
0x4: {  	_ = 	snop  }
0x5: {  	_ = 	snop  }
0x6: {  	_ = 	snop  }
0x7: {  	_ = 	snop  }
__scs_overlays_trampoline_lowered:
0x8: {  	[smem:$0x3FAE] =	sst s0  }
0x9: {  	[smem:$0x3FAF] =	sst s1  }
0xa: {  	[smem:$0x3FB0] =	sst s2  }
0xb: {  	[smem:$0x3FB1] =	sst s3  }
0xc: {  	[smem:$0x3FB2] =	sst s4  }
0xd: {  	[smem:$0x3FB3] =	sst s5  }
0xe: {  	[smem:$0x3FB4] =	sst s6  }
0xf: {  	[smem:$0x3FB5] =	sst s7  }
0x10: {  	[smem:$0x3FB6] =	sst s8  }
0x11: {  	[smem:$0x3FB7] =	sst s9;
	s0 =	simm.s32 @!p0 $0x0  }
0x12: {  	s1 =	sld [smem:$0x3F9D];
	s0 =	simm.s32 @p0 $0x1  }
0x13: {  	[smem:$0x3FB8] =	sst s0;
	s0 =	simm.s32 @!p1 $0x0  }
0x14: {  	s2 =	sld [smem:$0x3F9C];
	s0 =	simm.s32 @p1 $0x1  }
0x15: {  	[smem:$0x3FB9] =	sst s0;
	s0 =	simm.s32 @!p2 $0x0  }
0x16: {  	s3 =	sld [smem:$0x3FDB];
	s0 =	simm.s32 @p2 $0x1  }
0x17: {  	s4 =	simm.s32 $0x1BF5;
	[smem:$0x3FBB] =	sst s0  }
0x18: {  	s0 =	sld [smem:$0x3F9E];
	_ =	swait.ge [sflag:s4], $0x0  }
0x19: {  	s7 =	sld [smem:$0x3F9F]  }
0x1a: {  	s8 =	sadd.s32 $0xFFFFE003, lr  }
0x1b: {  	s9 =	sadd.s32 $0xFFFFFEF7, lr;
	s5 =	simm.s32 $0xFFFFFFFF;
	p2 =	slt.u32 s8, $0xFFFFF086  }
0x1c: {  	p1 =	slt.u32 s9, $0xF7A;
	s5 =	simm.s32 @!p2 $0x0  }
0x1d: {  	s5 =	simm.s32 @p1 $0x1;
	p0 =	seq.s32 s7, s2  }
0x1e: {  	s7 =	smul.u32 @!p0 $0xF7A, s2;
	p2 =	seq.s32 @!p0 s5, $0x0  }
0x1f: {  	s9 =	smul.u32 $0xF7A, s1;
	s8 =	simm.s32 @!p0 $0x1BF5;
	p2 =	por !p2, p0  }
0x20: {  	[sflag:s8] =	ssyncset.s32 @!p0 $0xFFFFF086;
	s6 =	sadd.s32 @!p0 s3, s7;
	s7 =	simm.s32 @!p0 $0x108  }
0x21: {  	s3 =	sadd.s32 s3, s9;
	s6 =	sadd.s32 @!p0 $0x88, s6;
	s7 =	simm.s32 @p2 $0x1082  }
0x22: {  	[simem:s7], [sflag:s8] =	dma.local @!p0 [hbm:s6], $0xF7A  }
0x23: {  	s9 =	sor.u32 $0xD0000000, s2;
	s6 =	simm.s32 $0x108;
	_ =	swait.ge @!p0 [sflag:s8], $0x0  }
0x24: {  	s3 =	sadd.s32 $0x88, s3;
	s6 =	simm.s32 @!p1 $0x1082;
	[sflag:s4] =	ssyncset.s32 $0xFFFFF086  }
0x25: {  	[simem:s6], [sflag:s4] =	dma.local [hbm:s3], $0xF7A  }
0x26: {  	[smem:$0x3F9F] =	sst s1;
	(tag) =	ssettag s2;
	_ =	strace s9  }
0x27: {  	s1 =	sld [smem:$0x3FAF]  }
0x28: {  	s2 =	sld [smem:$0x3FB0]  }
0x29: {  	s4 =	sld [smem:$0x3FB2]  }
0x2a: {  	p0 =	seq.s32 s5, $0x0;
	s5 =	sld [smem:$0x3FB3]  }
0x2b: {  	s6 =	sld [smem:$0x3FB4]  }
0x2c: {  	s7 =	sld [smem:$0x3FB5]  }
0x2d: {  	s3 =	simm.s32 $0x108;
	s8 =	sld [smem:$0x3FB6]  }
0x2e: {  	s3 =	simm.s32 @!p0 $0x1082;
	s9 =	sld [smem:$0x3FB7]  }
0x2f: {  	lr =	sadd.s32 s0, s3;
	s0 =	sld [smem:$0x3FAE]  }
0x30: {  	s3 =	sld [smem:$0x3FB1]  }
0x31: {  	[smem:$0x3FBA] =	sst s10  }
0x32: {  	s10 =	sld [smem:$0x3FB8];
	_ =	sdelay $0x3  }
0x33: {  	p0 =	seq.s32 s10, $0x1;
	s10 =	sld [smem:$0x3FBA];
	_ =	sdelay $0x3  }
0x34: {  	[smem:$0x3FBA] =	sst s10  }
0x35: {  	s10 =	sld [smem:$0x3FB9];
	_ =	sdelay $0x3  }
0x36: {  	p1 =	seq.s32 s10, $0x1;
	s10 =	sld [smem:$0x3FBA];
	_ =	sdelay $0x3  }
0x37: {  	[smem:$0x3FBA] =	sst s10  }
0x38: {  	s10 =	sld [smem:$0x3FBB]  }
0x39: {  	_ = 	snop;
	(pc) =	sbr.ind lr, $3  }
0x3a: {  	_ = 	snop  }
0x3b: {  	_ = 	snop  }
0x3c: {  	p2 =	seq.s32 s10, $0x1;
	s10 =	sld [smem:$0x3FBA]  }
0x3d: {  	_ =	shalt  }
0x3e: {  	_ =	shalt  }
0x3f: {  	_ =	shalt  }
0x40: {  	_ =	shalt  }
0x41: {  	_ =	shalt  }
0x42: {  	_ =	shalt  }
0x43: {  	_ =	shalt  }
0x44: {  	_ =	shalt  }
0x45: {  	_ =	shalt  }
0x46: {  	_ =	shalt  }
0x47: {  	_ =	shalt  }
0x48: {  	_ =	shalt  }
0x49: {  	_ =	shalt  }
0x4a: {  	_ =	shalt  }
0x4b: {  	_ =	shalt  }
0x4c: {  	_ =	shalt  }
0x4d: {  	_ =	shalt  }
0x4e: {  	_ =	shalt  }
0x4f: {  	_ =	shalt  }
0x50: {  	_ =	shalt  }
0x51: {  	_ =	shalt  }
0x52: {  	_ =	shalt  }
0x53: {  	_ =	shalt  }
0x54: {  	_ =	shalt  }
0x55: {  	_ =	shalt  }
0x56: {  	_ =	shalt  }
0x57: {  	_ =	shalt  }
0x58: {  	_ =	shalt  }
0x59: {  	_ =	shalt  }
0x5a: {  	_ =	shalt  }
0x5b: {  	_ =	shalt  }
0x5c: {  	_ =	shalt  }
0x5d: {  	_ =	shalt  }
0x5e: {  	_ =	shalt  }
0x5f: {  	_ =	shalt  }
0x60: {  	_ =	shalt  }
0x61: {  	_ =	shalt  }
0x62: {  	_ =	shalt  }
0x63: {  	_ =	shalt  }
0x64: {  	_ =	shalt  }
0x65: {  	_ =	shalt  }
0x66: {  	_ =	shalt  }
0x67: {  	_ =	shalt  }
0x68: {  	_ =	shalt  }
0x69: {  	_ =	shalt  }
0x6a: {  	_ =	shalt  }
0x6b: {  	_ =	shalt  }
0x6c: {  	_ =	shalt  }
0x6d: {  	_ =	shalt  }
0x6e: {  	_ =	shalt  }
0x6f: {  	_ =	shalt  }
0x70: {  	_ =	shalt  }
0x71: {  	_ =	shalt  }
0x72: {  	_ =	shalt  }
0x73: {  	_ =	shalt  }
0x74: {  	_ =	shalt  }
0x75: {  	_ =	shalt  }
0x76: {  	_ =	shalt  }
0x77: {  	_ =	shalt  }
0x78: {  	_ =	shalt  }
0x79: {  	_ =	shalt  }
0x7a: {  	_ =	shalt  }
0x7b: {  	_ =	shalt  }
0x7c: {  	_ =	shalt  }
0x7d: {  	_ =	shalt  }
0x7e: {  	_ =	shalt  }
0x7f: {  	_ =	shalt  }
0x80: {  	_ =	shalt  }
0x81: {  	_ =	shalt  }
0x82: {  	_ =	shalt  }
0x83: {  	_ =	shalt  }
0x84: {  	_ =	shalt  }
0x85: {  	_ =	shalt  }
0x86: {  	_ =	shalt  }
0x87: {  	_ =	shalt  }
.Lfunc_end0:
.L_simem_size_0:
called_computation_lowered:
.L_overlay_start_0:
0x88: {  	s2 =	sld [smem:$0x3FD9]  }
0x89: {  	s3 =	sld [smem:$0x3FFE];
	_ =	sdelay $0x1  }
0x8a: {  	s1 =	srdreg.scid  }
0x8b: {  	s0 =	sand.u32 $0x1, s1  }
0x8c: {  	s16 =	sshll.u32 s0, $0xA;
	s2 =	sadd.s32 s3, s2  }
0x8d: {  	s2 =	sadd.s32 s2, s16  }
0x8e: {  	[smem:$0x3FC6] =	sst s2  }
0x8f: {  	_ = 	snop  }
0x90: {  	(tm) =	ssettm $0x1  }
0x91: {  	s17 =	sld [smem:$0x3FFB];
	_ =	sdelay $0x3  }
0x92: {  	_ =	strace s17  }
0x93: {  	s2 =	sld [smem:$0x3FFC];
	_ =	sdelay $0x3  }
0x94: {  	_ =	strace s2  }
0x95: {  	s2 =	sld [smem:$0x3FFD];
	_ =	sdelay $0x3  }
0x96: {  	_ =	strace s2  }
0x97: {  	_ =	strace $0x8FFFFFFF  }
0x98: {  	s18 =	sld [smem:$0x3FDB];
	_ =	sdelay $0x1  }
0x99: {  	s19 =	simm.s32 $_scs_section_size  }
0x9a: {  	s4 =	simm.s32 $_size__tile_overlayer_lowered;
	s5 =	simm.s32 $_tile_overlayer_lowered  }
0x9b: {  	s22 =	simm.s32 $0x1BFF;
	s21 =	sshll.u32 s5, $0x1;
	s2 =	sadd.s32 s19, s18  }
0x9c: {  	s6 =	simm.s32 $0x0;
	s20 =	sshll.u32 s4, $0x1;
	s4 =	sadd.s32 s21, s2  }
0x9d: {  	[timem:s6], [sflag:s22] =	dma.local [hbm:s4], s20  }
0x9e: {  	_ =	swait.ge [sflag:s22], s20  }
0x9f: {  	s3 =	ssub.s32 $0x0, s20;
	[sflag:s22] =	ssyncset.done $0x0  }
0xa0: {  	[sflag:s22] =	ssyncadd.s32 s3;
	_ =	sdelay $0x1  }
0xa1: {  	s23 =	simm.s32 $0x1B8B  }
0xa2: {  	_ =	swait.ge [sflag:s23], $0x1  }
0xa3: {  	[sflag:s23] =	ssyncset.done $0x0  }
0xa4: {  	s25 =	simm.s32 $0x1B8E;
	s24 =	sld [smem:$0x3FFE];
	[sflag:s23] =	ssyncadd.s32 $0xFFFFFFFF  }
0xa5: {  	s26 =	simm.s32 $execute0_lowered;
	[smem:$0x3FD2] =	sst s25  }
0xa6: {  	s4 =	sshll.u32 s26, $0x1;
	_ =	strace $0x80000046;
	[dreg:$0x1] =	wrdreg $0xFFFFFFFF  }
0xa7: {  	s28 =	simm.s32 $_size_execute0_lowered;
	s2 =	sadd.s32 s2, s4;
	[dreg:$0x0] =	wrdreg $0x0  }
0xa8: {  	s4 =	sshll.u32 s28, $0x1;
	[dreg:$0x2] =	wrdreg s2  }
0xa9: {  	[dreg:$0x3] =	wrdreg s4  }
0xaa: {  	[dreg:$0x4] =	wrdreg $0xC0  }
0xab: {  	_ =	task [dreg:s6], $0x5FFFF  }
0xac: {  	[dreg:$0x1] =	wrdreg $0xFFFFFFFF  }
0xad: {  	[dreg:$0x0] =	wrdreg $0x60  }
0xae: {  	[dreg:$0x2] =	wrdreg s24  }
0xaf: {  	[dreg:$0x3] =	wrdreg $0x9  }
0xb0: {  	_ =	task.clear_ibuf [dreg:s6], $0x4FFFF;
	_ =	strace $0x90000046  }
0xb1: {  	s29 =	simm.s32 $0x9;
	_ =	strace $0x80000048  }
0xb2: {  	_ =	swait.ge [sflag:s29], $0x1  }
0xb3: {  	[sflag:s29] =	ssyncadd.s32 $0xFFFFFFFF  }
0xb4: {  	_ =	strace $0x90000048  }
0xb5: {  	_ =	sfence  }
0xb6: {  	s30 =	sld [smem:$0x0];
	_ =	sdelay $0x2  }
0xb7: {  	s31 =	sshll.u32 s1, $0xD;
	s1 =	sshrl.u32 s1, $0x2  }
0xb8: {  	s3 =	sand.u32 $0x4000, s31;
	s1 =	sadd.s32 s1, s30  }
0xb9: {  	s0 =	sor.u32 s3, s0;
	s1 =	sshll.u32 s1, $0x11  }
0xba: {  	s0 =	sor.u32 s1, s0  }
0xbb: {  	s0 =	sadd.s32 $0x8F2B, s0  }
0xbc: {  	[sflag:s0] =	ssyncadd.remote.s32 $0x1  }
0xbd: {  	_ =	sfence.sel $0xFFFF  }
0xbe: {  	[dreg:$0x0] =	wrdreg $0xFFFFFFFF;
	(pc) =	sbr.abs _section_cstart, $3  }
0xbf: {  	[dreg:$0x1] =	wrdreg $0xFFFFFFFF  }
0xc0: {  	_ =	task.clear_ibuf [dreg:s6], $0x2FFFF;
	_ =	strace $0x9FFFFFFF  }
0xc1: {  	(tm) =	ssettm $0x7FFFFFFF  }
tec
execute0_lowered:
.L_overlay_start_1:
0x0: {  	(tag) =	ssettag $0x1  }
0x1: {  	s0 =	srdreg.scid  }
0x2: {  	s8 =	sand.u32 $0x1, s0;
	s0 =	stileid.u32  }
0x3: {  	s2 =	sshll.u32 s0, $0x1;
	s3 =	ssub.s32 $0x0, s8  }
0x4: {  	p0 =	sne.s32 s2, s3  }
.Ltmp0:
0x5: {  	_ = 	snop;
	(pc) =	sbr.rel @p0 .LBB2_4-.Ltmp0, $3  }
0x6: {  	_ =	sdelay $0x1  }
0x7: {  	s7 =	rddreg [dreg:$0x0]  }
0x8: {  	s1 =	rddreg [dreg:$0x1];
	_ =	strace $0x80000047  }
0x9: {  	s4 =	sadd.s32 $0x600, s7;
	s3 =	simm.s32 $0x0;
	s2 =	simm.s32 $0x1  }
0xa: {  	[tilespmem:s3], [sflag:$0x1] =	stream.linear.gather [hbm4b:s4+s3], $0x400, $0x38;
	[tilespmem:$0x880] =	vst v63  }
0xb: {  	_ =	swait.ge [sflag:s2], $0x400  }
0xc: {  	[sflag:s2] =	ssyncset.done $0x0  }
0xd: {  	s5 =	sadd.s32 $0x800, s7;
	s6 =	simm.s32 $0x400;
	[sflag:s2] =	ssyncadd.s32 $0xFFFFFC00  }
0xe: {  	[tilespmem:s6], [sflag:$0x1] =	stream.linear.gather [hbm4b:s5+s3], $0x400, $0x38;
	[tilespmem:$0x880] =	vst v63  }
0xf: {  	_ =	swait.ge [sflag:s2], $0x400  }
0x10: {  	[sflag:s2] =	ssyncset.done $0x0  }
0x11: {  	[sflag:s2] =	ssyncadd.s32 $0xFFFFFC00  }
0x12: {  	v1 =	vld [tilespmem:$0x210]  }
0x13: {  	v2 =	vld [tilespmem:$0x200]  }
0x14: {  	v3 =	vld [tilespmem:$0x180]  }
0x15: {  	v4 =	vld [tilespmem:$0x190]  }
0x16: {  	v5 =	vld [tilespmem:$0x110]  }
0x17: {  	v6 =	vld [tilespmem:$0x100]  }
0x18: {  	v7 =	vld [tilespmem:$0x80]  }
0x19: {  	v8 =	vld [tilespmem:$0x90]  }
0x1a: {  	v9 =	vld [tilespmem:$0x0]  }
0x1b: {  	v10 =	vld [tilespmem:$0x10]  }
0x1c: {  	v0 =	vld [tilespmem:$0x690]  }
0x1d: {  	v11 =	vld [tilespmem:$0x280]  }
0x1e: {  	v12 =	vld [tilespmem:$0x290]  }
0x1f: {  	v13 =	vld [tilespmem:$0x300];
	v9 =	vadd.f32 $0.0e+00, v9  }
0x20: {  	v14 =	vld [tilespmem:$0x400];
	v10 =	vadd.f32 $0.0e+00, v10  }
0x21: {  	v15 =	vld [tilespmem:$0x410];
	v7 =	vadd.f32 v7, v9  }
0x22: {  	v8 =	vadd.f32 v8, v10;
	v10 =	vld [tilespmem:$0x480]  }
0x23: {  	v62 =	vld [tilespmem:$0x490];
	v6 =	vadd.f32 v6, v7  }
0x24: {  	s8 =	ssub.s32 $0x2, s8;
	v5 =	vadd.f32 v5, v8;
	v7 =	vld [tilespmem:$0x500]  }
0x25: {  	s9 =	sshrl.u32 s8, $0x1;
	v9 =	vld [tilespmem:$0x380];
	v8 =	vadd.f32 $0.0e+00, v14;
	v3 =	vadd.f32 v3, v6  }
0x26: {  	s8 =	ssub.s32 s8, s9;
	v4 =	vadd.f32 v4, v5;
	v6 =	vld [tilespmem:$0x580]  }
0x27: {  	s9 =	smax.u32 s8, $0x1;
	v5 =	vadd.f32 v10, v8;
	v2 =	vadd.f32 v2, v3;
	v3 =	vld [tilespmem:$0x310]  }
0x28: {  	p0 =	sne.s32 s9, $0x1;
	v10 =	vld [tilespmem:$0x600];
	v1 =	vadd.f32 v1, v4  }
.Ltmp1:
0x29: {  	v4 =	vadd.f32 v7, v5;
	v7 =	vadd.f32 v11, v2;
	v2 =	vld [tilespmem:$0x390];
	(pc) =	sbr.rel @!p0 .LBB2_3-.Ltmp1, $4  }
0x2a: {  	v8 =	vadd.f32 $0.0e+00, v15;
	v11 =	vadd.f32 v12, v1;
	v1 =	vld [tilespmem:$0x680]  }
0x2b: {  	v5 =	vld [tilespmem:$0x510];
	v63 =	vadd.f32 v6, v4;
	v13 =	vadd.f32 v13, v7  }
0x2c: {  	v4 =	vadd.f32 v62, v8;
	v8 =	vadd.f32 v3, v11;
	v3 =	vld [tilespmem:$0x700]  }
0x2d: {  	s7 =	sadd.s32 $0xA00, s7;
	s8 =	simm.s32 $0x800;
	s9 =	sadd.s32 $0xFFFFFFFF, s9;
	v6 =	vld [tilespmem:$0x590];
	v7 =	vadd.f32 v10, v63;
	v9 =	vadd.f32 v9, v13  }
.LBB2_2:
0x2e: {  	p0 =	sne.s32 s9, $0x1;
	s9 =	sadd.s32 $0xFFFFFFFF, s9;
	v2 =	vadd.f32 v2, v8  }
0x2f: {  	v8 =	vld [tilespmem:$0x610];
	v1 =	vadd.f32 v1, v7;
	v7 =	vadd.f32 $9.999999970e-07, v9  }
0x30: {  	v4 =	vadd.f32 v5, v4;
	v2 =	vadd.f32 $9.999999970e-07, v2  }
0x31: {  	v1 =	vadd.f32 v3, v1;
	(erf) = vrcp.f32 v7  }
0x32: {  	v3 =	vadd.f32 v6, v4;
	(erf) = vrcp.f32 v2  }
0x33: {  	v2 =	vld [tilespmem:$0x710]  }
0x34: {  	v3 =	vadd.f32 v8, v3;
	v4 =	vld [tilespmem:$0x790]  }
0x35: {  	v5 =	vld [tilespmem:$0x780]  }
0x36: {  	v0 =	vadd.f32 v0, v3;
	_ =	sdelay $0x1  }
0x37: {  	v0 =	vadd.f32 v2, v0;
	_ =	sdelay $0x1  }
0x38: {  	v1 =	vadd.f32 v5, v1;
	v0 =	vadd.f32 v4, v0;
	v2 =	vpop (erf)  }
0x39: {  	v3 =	vpop (erf)  }
0x3a: {  	v1 =	vmul.f32 v2, v1;
	v0 =	vmul.f32 v3, v0;
	_ =	sdelay $0x1  }
0x3b: {  	v0 =	vadd.f32 v0, v1;
	_ =	sdelay $0x1  }
0x3c: {  	[tilespmem:$0x800] =	vst v0  }
0x3d: {  	[hbm4b:s7+s3] =	stream.linear.scatter [tilespmem:s8], [sflag:$0x1], $0x80, $0x38;
	[tilespmem:$0x880] =	vst v63  }
0x3e: {  	_ =	swait.ge [sflag:s2], $0x80  }
0x3f: {  	[sflag:s2] =	ssyncset.done $0x0  }
0x40: {  	[sflag:s2] =	ssyncadd.s32 $0xFFFFFF80  }
0x41: {  	[tilespmem:s3], [sflag:$0x1] =	stream.linear.gather [hbm4b:s4+s3], $0x400, $0x38;
	[tilespmem:$0x880] =	vst v63  }
0x42: {  	_ =	swait.ge [sflag:s2], $0x400  }
0x43: {  	[sflag:s2] =	ssyncset.done $0x0  }
0x44: {  	[sflag:s2] =	ssyncadd.s32 $0xFFFFFC00  }
0x45: {  	[tilespmem:s6], [sflag:$0x1] =	stream.linear.gather [hbm4b:s5+s3], $0x400, $0x38;
	[tilespmem:$0x880] =	vst v63  }
0x46: {  	_ =	swait.ge [sflag:s2], $0x400  }
0x47: {  	[sflag:s2] =	ssyncset.done $0x0  }
0x48: {  	[sflag:s2] =	ssyncadd.s32 $0xFFFFFC00  }
0x49: {  	v1 =	vld [tilespmem:$0x210]  }
0x4a: {  	v2 =	vld [tilespmem:$0x200]  }
0x4b: {  	v3 =	vld [tilespmem:$0x180]  }
0x4c: {  	v4 =	vld [tilespmem:$0x190]  }
0x4d: {  	v5 =	vld [tilespmem:$0x110]  }
0x4e: {  	v6 =	vld [tilespmem:$0x100]  }
0x4f: {  	v7 =	vld [tilespmem:$0x80]  }
0x50: {  	v8 =	vld [tilespmem:$0x90]  }
0x51: {  	v9 =	vld [tilespmem:$0x0]  }
0x52: {  	v10 =	vld [tilespmem:$0x10]  }
0x53: {  	v0 =	vld [tilespmem:$0x690]  }
0x54: {  	v11 =	vld [tilespmem:$0x280]  }
0x55: {  	v12 =	vld [tilespmem:$0x290]  }
0x56: {  	v9 =	vadd.f32 $0.0e+00, v9;
	v13 =	vld [tilespmem:$0x300]  }
0x57: {  	v10 =	vadd.f32 $0.0e+00, v10;
	v14 =	vld [tilespmem:$0x400]  }
0x58: {  	v7 =	vadd.f32 v7, v9;
	v9 =	vld [tilespmem:$0x380]  }
0x59: {  	v8 =	vadd.f32 v8, v10;
	v10 =	vld [tilespmem:$0x480]  }
0x5a: {  	v15 =	vld [tilespmem:$0x410];
	v6 =	vadd.f32 v6, v7  }
0x5b: {  	v5 =	vadd.f32 v5, v8;
	v7 =	vld [tilespmem:$0x500]  }
0x5c: {  	v8 =	vadd.f32 $0.0e+00, v14;
	v14 =	vld [tilespmem:$0x490];
	v3 =	vadd.f32 v3, v6  }
0x5d: {  	v4 =	vadd.f32 v4, v5;
	v6 =	vld [tilespmem:$0x580]  }
0x5e: {  	v5 =	vadd.f32 v10, v8;
	v2 =	vadd.f32 v2, v3;
	v3 =	vld [tilespmem:$0x310]  }
0x5f: {  	v8 =	vadd.f32 $0.0e+00, v15;
	v1 =	vadd.f32 v1, v4;
	v10 =	vld [tilespmem:$0x600]  }
.Ltmp2:
0x60: {  	v7 =	vadd.f32 v7, v5;
	v11 =	vadd.f32 v11, v2;
	v2 =	vld [tilespmem:$0x390];
	(pc) =	sbr.rel @p0 .LBB2_2-.Ltmp2, $4  }
0x61: {  	v4 =	vadd.f32 v14, v8;
	v8 =	vadd.f32 v12, v1;
	v1 =	vld [tilespmem:$0x680]  }
0x62: {  	v5 =	vld [tilespmem:$0x510];
	v7 =	vadd.f32 v6, v7;
	v11 =	vadd.f32 v13, v11  }
0x63: {  	v8 =	vadd.f32 v3, v8;
	v3 =	vld [tilespmem:$0x700]  }
0x64: {  	v6 =	vld [tilespmem:$0x590];
	v7 =	vadd.f32 v10, v7;
	v9 =	vadd.f32 v9, v11  }
.LBB2_3:
0x65: {  	v2 =	vadd.f32 v2, v8  }
0x66: {  	v58 =	vld [tilespmem:$0x610];
	v9 =	vadd.f32 $9.999999970e-07, v9  }
0x67: {  	v4 =	vadd.f32 v5, v4;
	v2 =	vadd.f32 $9.999999970e-07, v2  }
0x68: {  	(erf) = vrcp.f32 v9  }
0x69: {  	v4 =	vadd.f32 v6, v4;
	(erf) = vrcp.f32 v2  }
0x6a: {  	v59 =	vld [tilespmem:$0x710]  }
0x6b: {  	v60 =	vld [tilespmem:$0x790];
	v4 =	vadd.f32 v58, v4  }
0x6c: {  	v61 =	vld [tilespmem:$0x780]  }
0x6d: {  	v1 =	vadd.f32 v1, v7;
	v0 =	vadd.f32 v0, v4;
	_ =	sdelay $0x1  }
0x6e: {  	v1 =	vadd.f32 v3, v1;
	v0 =	vadd.f32 v59, v0;
	_ =	sdelay $0x1  }
0x6f: {  	v1 =	vadd.f32 v61, v1;
	v0 =	vadd.f32 v60, v0;
	v62 =	vpop (erf)  }
0x70: {  	v63 =	vpop (erf)  }
0x71: {  	v1 =	vmul.f32 v62, v1;
	v0 =	vmul.f32 v63, v0;
	_ =	sdelay $0x1  }
0x72: {  	v0 =	vadd.f32 v0, v1;
	_ =	sdelay $0x1  }
0x73: {  	[tilespmem:$0x800] =	vst v0  }
0x74: {  	[hbm4b:s7+s3] =	stream.linear.scatter [tilespmem:s8], [sflag:$0x1], $0x80, $0x38;
	[tilespmem:$0x880] =	vst v63  }
0x75: {  	_ =	swait.ge [sflag:s2], $0x80  }
0x76: {  	[sflag:s2] =	ssyncset.done $0x0  }
0x77: {  	[sflag:s2] =	ssyncadd.s32 $0xFFFFFF80  }
.LBB2_4:
0x78: {  	_ =	sfence.sel $0x180000  }
0x79: {  	[bflag:$0x0] =	sbarrier.arrive $0xFFFF  }
0x7a: {  	p0 =	sne.s32 s0, $0x0;
	_ =	strace $0x90000047  }
0x7b: {  	s0 =	sadd.s32 @!p0 $0x100000, s1;
	[bflag:$0x2] =	sbarrier.arrive $0xFFFF  }
0x7c: {  	[sflag:s0] =	ssyncadd.tile.s32 @!p0 $0x1;
	_ =	shalt  }
.Lfunc_end2:
_tile_overlayer_lowered:
.L_overlay_start_2:
0x7d: {  	(tag) =	ssettag $0x2  }
0x7e: {  	s0 =	rddreg [dreg:$0x0];
	s2 =	stileid.u32  }
0x7f: {  	s1 =	rddreg [dreg:$0x1];
	p0 =	sne.s32 s2, $0x0  }
0x80: {  	s3 =	rddreg [dreg:$0x2];
	[bflag:$0x3] =	sbarrier.arrive $0xFFFF;
	s2 =	simm.s32 @!p0 $0x1C01  }
0x81: {  	[timem:s3], [sflag:s2] =	dma.local @!p0 [hbm:s0], s1  }
0x82: {  	s0 =	simm.s32 @!p0 $0x1  }
0x83: {  	_ =	swait.ge @!p0 [sflag:s0], s1  }
0x84: {  	s1 =	ssub.s32 @!p0 $0x0, s1;
	[sflag:s0] =	ssyncset.done @!p0 $0x0  }
0x85: {  	[sflag:s0] =	ssyncadd.s32 @!p0 s1  }
0x86: {  	[bflag:$0x3] =	sbarrier.arrive $0xFFFF  }
0x87: {  	_ =	shalt  }

</sc_bundles>
